<compile_context>
chip_gen: v7x
topology: tpu7x:2x2x1
jax: 0.10.2.dev20260603
libtpu: 0.0.44.dev20260713+nightly
codegen_flags: <defaults>
</compile_context>

<pallas_src>
import functools

import jax
import jax.numpy as jnp
from jax.experimental import pallas as pl

B, S, D_MODEL = 4, 4096, 4096
E, K = 64, 8
CAPACITY_FACTOR = 1.25
LB_WEIGHT = 0.01

_TILE = 512


def _logits_kernel(x_ref, wt_ref, out_ref):
    out_ref[...] = jnp.dot(x_ref[...], wt_ref[...],
                           preferred_element_type=jnp.float32)


def _router_logits(x_flat, wt):
    n, d = x_flat.shape
    e = wt.shape[1]
    grid = (n // _TILE,)
    return pl.pallas_call(
        _logits_kernel,
        grid=grid,
        in_specs=[
            pl.BlockSpec((_TILE, d), lambda i: (i, 0)),
            pl.BlockSpec((d, e), lambda i: (0, 0)),
        ],
        out_specs=pl.BlockSpec((_TILE, e), lambda i: (i, 0)),
        out_shape=jax.ShapeDtypeStruct((n, e), jnp.float32),
    )(x_flat, wt)


def kernel(x, W):
    b, s, d = x.shape
    N = b * s
    n_exp = W.shape[0]
    k = K
    x_flat = x.reshape(N, d)
    logits = _router_logits(x_flat, W.T)
    gates = jax.nn.softmax(logits, axis=-1)
    actual_k = min(k, n_exp)
    topk_val_tok, topk_idx_tok = jax.lax.top_k(gates, actual_k)
    rows = jnp.arange(N)[:, None]
    mask = jnp.zeros((N, n_exp), gates.dtype).at[rows, topk_idx_tok].set(1.0)
    capacity = max(1, int(CAPACITY_FACTOR * (N * k) / n_exp))
    capacity = min(capacity, N)
    scores = jnp.where(mask <= 0, -jnp.inf, gates)
    top_val_ce_t, top_idx_ce_t = jax.lax.top_k(scores.T, capacity)
    top_val_ce = top_val_ce_t.T
    top_idx_ce = top_idx_ce_t.T
    valid_ce = jnp.isfinite(top_val_ce)
    e_grid = jnp.broadcast_to(jnp.arange(n_exp)[None, :], top_idx_ce.shape)
    kept_f = jnp.zeros((N, n_exp), jnp.float32).at[top_idx_ce, e_grid].max(
        valid_ce.astype(jnp.float32))
    kept_mask = kept_f > 0
    combine = gates * kept_mask.astype(gates.dtype)
    denom = jnp.clip(combine.sum(axis=-1, keepdims=True), 1e-09, None)
    combine = combine / denom
    p = gates.mean(axis=0)
    assignment_fraction = kept_mask.astype(gates.dtype).mean(axis=0) / float(max(k, 1))
    aux_lb = n_exp * (p * assignment_fraction).sum() * LB_WEIGHT
    z = jax.scipy.special.logsumexp(logits, axis=-1)
    aux_z = jnp.mean(jnp.square(z)) * 0.0
    ent = -(jnp.log(jnp.clip(gates, 1e-09, None)) * gates).sum(axis=-1).mean()
    aux_entropy = -0.0 * ent
    aux_margin = jnp.asarray(0.0, dtype=logits.dtype)
    return (combine, kept_mask, top_idx_ce, valid_ce, aux_lb, aux_z,
            aux_entropy, aux_margin, gates, logits)

# --- scband reference (transcript-rebuilt; emitter-appended) ---
"""Pipeline reference for scband-top-krouter-86380382257744 (READ-ONLY COPY).

The authoritative reference and input builder live on the scoring server;
editing this copy changes nothing except your own understanding.
"""

import jax, jax.numpy as jnp
import numpy as np

B, S, D_MODEL = 4, 4096, 4096
E, K = 64, 8
CAPACITY_FACTOR = 1.25
LB_WEIGHT = 0.01
Z_WEIGHT = 0.0
ENT_WEIGHT = 0.0
TEMPERATURE = 1.0

def setup_inputs(seed: int = 0) -> dict:
    key = jax.random.key(seed)
    k1, k2 = jax.random.split(key)
    x = jax.random.normal(k1, (B, S, D_MODEL), dtype=jnp.float32)
    W = jax.random.normal(k2, (E, D_MODEL), dtype=jnp.float32) * 0.02
    return {"x": x, "W": W}

def reference(x, W):
    b, s, d = x.shape
    N = b * s
    n_exp = W.shape[0]
    k = K
    x_flat = x.reshape(N, d)
    # route_logits: no LN (use_router_ln=False), no bias, eval mode -> no noise
    logits = (x_flat @ W.T).astype(jnp.float32)
    logits = logits / max(TEMPERATURE, 1e-06)
    gates = jax.nn.softmax(logits, axis=-1)
    actual_k = min(k, n_exp)
    topk_val_tok, topk_idx_tok = jax.lax.top_k(gates, actual_k)
    rows = jnp.arange(N)[:, None]
    mask = jnp.zeros((N, n_exp), gates.dtype).at[rows, topk_idx_tok].set(1.0)
    capacity = max(1, int(CAPACITY_FACTOR * (N * k) / n_exp))
    capacity = min(capacity, N)
    scores = jnp.where(mask <= 0, -jnp.inf, gates)
    # top-k over dim 0 (per expert column)
    top_val_ce_t, top_idx_ce_t = jax.lax.top_k(scores.T, capacity)
    top_val_ce = top_val_ce_t.T  # [capacity, E]
    top_idx_ce = top_idx_ce_t.T  # [capacity, E]
    valid_ce = jnp.isfinite(top_val_ce)
    e_grid = jnp.broadcast_to(jnp.arange(n_exp)[None, :], top_idx_ce.shape)
    kept_f = jnp.zeros((N, n_exp), jnp.float32).at[top_idx_ce, e_grid].max(valid_ce.astype(jnp.float32))
    kept_mask = kept_f > 0
    combine = gates * kept_mask.astype(gates.dtype)
    # renorm_after_drops=True
    denom = jnp.clip(combine.sum(axis=-1, keepdims=True), 1e-09, None)
    combine = combine / denom
    # aux losses
    p = gates.mean(axis=0)
    assignment_fraction = kept_mask.astype(gates.dtype).mean(axis=0) / float(max(k, 1))
    aux_lb = n_exp * (p * assignment_fraction).sum() * LB_WEIGHT
    z = jax.scipy.special.logsumexp(logits, axis=-1)
    aux_z = jnp.mean(jnp.square(z)) * Z_WEIGHT
    ent = -(jnp.log(jnp.clip(gates, 1e-09, None)) * gates).sum(axis=-1).mean()
    aux_entropy = -ENT_WEIGHT * ent
    aux_margin = jnp.asarray(0.0, dtype=logits.dtype)  # margin_weight == 0
    return (combine, kept_mask, top_idx_ce, valid_ce, aux_lb, aux_z, aux_entropy, aux_margin, gates, logits)

if __name__ == "__main__":
    import jax
    _d = setup_inputs()
    print(jax.jit(kernel)(*tuple(_d.values())))

</pallas_src>

<mosaic_0001>
module attributes {stable_mosaic.version = 14 : i64} {
  func.func @_logits_kernel(%arg0: i32, %arg1: memref<512x4096xf32, #tpu.memory_space<vmem>>, %arg2: memref<4096x64xf32, #tpu.memory_space<vmem>>, %arg3: memref<512x64xf32, #tpu.memory_space<vmem>>) attributes {dimension_semantics = [#tpu.dimension_semantics<arbitrary>], iteration_bounds = array<i64: 32>, scalar_prefetch = 0 : i64, scratch_operands = 0 : i64, tpu.core_type = #tpu.core_type<tc>, window_params = [{transform_indices = @transform_0, window_bounds = array<i64: 512, 4096>}, {pipeline_mode = #tpu.pipeline_mode<synchronous>, transform_indices = @transform_1, window_bounds = array<i64: 4096, 64>}, {transform_indices = @transform_2, window_bounds = array<i64: 512, 64>}]} {
    %get3A = arith.constant 0 : index
    %get3A_0 = arith.constant 0 : index
    %get3A_1 = vector.load %arg1[%get3A, %get3A_0] : memref<512x4096xf32, #tpu.memory_space<vmem>>, vector<512x4096xf32>
    %get3A_2 = arith.constant 0 : index
    %get3A_3 = arith.constant 0 : index
    %get3A_4 = vector.load %arg2[%get3A_2, %get3A_3] : memref<4096x64xf32, #tpu.memory_space<vmem>>, vector<4096x64xf32>
    %dot_general3A = arith.constant dense<0.000000e+00> : vector<512x64xf32>
    %dot_general3A_5 = tpu.matmul %get3A_1, %get3A_4, %dot_general3A {dimension_numbers = #tpu.dot_dimension_numbers<[1], [0], [0], [1], [0, 0, 1, 1], [], []>, transpose_lhs_hint = false} : vector<512x4096xf32>, vector<4096x64xf32>, vector<512x64xf32> -> vector<512x64xf32>
    %swap3A = arith.constant 0 : index
    %swap3A_6 = arith.constant 0 : index
    %swap3A_7 = vector.load %arg3[%swap3A, %swap3A_6] : memref<512x64xf32, #tpu.memory_space<vmem>>, vector<512x64xf32>
    tpu.vector_store %arg3[%swap3A, %swap3A_6], %dot_general3A_5 {strides = array<i32>} : memref<512x64xf32, #tpu.memory_space<vmem>>, vector<512x64xf32>,
    return
  }
  func.func @transform_0(%arg0: i32) -> (i32, i32) {
    %c0_i32 = arith.constant 0 : i32
    %c0_i32_0 = arith.constant 0 : i32
    return %arg0, %c0_i32 : i32, i32
  }
  func.func @transform_1(%arg0: i32) -> (i32, i32) {
    %c0_i32 = arith.constant 0 : i32
    %c0_i32_0 = arith.constant 0 : i32
    %c0_i32_1 = arith.constant 0 : i32
    return %c0_i32, %c0_i32_0 : i32, i32
  }
  func.func @transform_2(%arg0: i32) -> (i32, i32) {
    %c0_i32 = arith.constant 0 : i32
    %c0_i32_0 = arith.constant 0 : i32
    return %arg0, %c0_i32 : i32, i32
  }
}

</mosaic_0001>

<sc_bundles>
// kernel: scatter_offload_async_start
scs
__scs_entry_jumppad:
0x0: {  	(pc) =	sbr.rel $0x88, $3  }
0x1: {  	(tag) =	ssettag $0x0;
	lr =	simm.s32 $0x1  }
0x2: {  	[smem:$0x3F9F] =	sst lr;
	_ =	strace $0xD0000000  }
0x3: {  	_ = 	snop  }
0x4: {  	_ = 	snop  }
0x5: {  	_ = 	snop  }
0x6: {  	_ = 	snop  }
0x7: {  	_ = 	snop  }
__scs_overlays_trampoline_lowered:
0x8: {  	[smem:$0x3FAE] =	sst s0  }
0x9: {  	[smem:$0x3FAF] =	sst s1  }
0xa: {  	[smem:$0x3FB0] =	sst s2  }
0xb: {  	[smem:$0x3FB1] =	sst s3  }
0xc: {  	[smem:$0x3FB2] =	sst s4  }
0xd: {  	[smem:$0x3FB3] =	sst s5  }
0xe: {  	[smem:$0x3FB4] =	sst s6  }
0xf: {  	[smem:$0x3FB5] =	sst s7  }
0x10: {  	[smem:$0x3FB6] =	sst s8  }
0x11: {  	[smem:$0x3FB7] =	sst s9;
	s0 =	simm.s32 @!p0 $0x0  }
0x12: {  	s1 =	sld [smem:$0x3F9D];
	s0 =	simm.s32 @p0 $0x1  }
0x13: {  	[smem:$0x3FB8] =	sst s0;
	s0 =	simm.s32 @!p1 $0x0  }
0x14: {  	s2 =	sld [smem:$0x3F9C];
	s0 =	simm.s32 @p1 $0x1  }
0x15: {  	[smem:$0x3FB9] =	sst s0;
	s0 =	simm.s32 @!p2 $0x0  }
0x16: {  	s3 =	sld [smem:$0x3FDB];
	s0 =	simm.s32 @p2 $0x1  }
0x17: {  	s4 =	simm.s32 $0x1BF5;
	[smem:$0x3FBB] =	sst s0  }
0x18: {  	s0 =	sld [smem:$0x3F9E];
	_ =	swait.ge [sflag:s4], $0x0  }
0x19: {  	s7 =	sld [smem:$0x3F9F]  }
0x1a: {  	s8 =	sadd.s32 $0xFFFFE003, lr  }
0x1b: {  	s9 =	sadd.s32 $0xFFFFFEF7, lr;
	s5 =	simm.s32 $0xFFFFFFFF;
	p2 =	slt.u32 s8, $0xFFFFF086  }
0x1c: {  	p1 =	slt.u32 s9, $0xF7A;
	s5 =	simm.s32 @!p2 $0x0  }
0x1d: {  	s5 =	simm.s32 @p1 $0x1;
	p0 =	seq.s32 s7, s2  }
0x1e: {  	s7 =	smul.u32 @!p0 $0xF7A, s2;
	p2 =	seq.s32 @!p0 s5, $0x0  }
0x1f: {  	s9 =	smul.u32 $0xF7A, s1;
	s8 =	simm.s32 @!p0 $0x1BF5;
	p2 =	por !p2, p0  }
0x20: {  	[sflag:s8] =	ssyncset.s32 @!p0 $0xFFFFF086;
	s6 =	sadd.s32 @!p0 s3, s7;
	s7 =	simm.s32 @!p0 $0x108  }
0x21: {  	s3 =	sadd.s32 s3, s9;
	s6 =	sadd.s32 @!p0 $0x88, s6;
	s7 =	simm.s32 @p2 $0x1082  }
0x22: {  	[simem:s7], [sflag:s8] =	dma.local @!p0 [hbm:s6], $0xF7A  }
0x23: {  	s9 =	sor.u32 $0xD0000000, s2;
	s6 =	simm.s32 $0x108;
	_ =	swait.ge @!p0 [sflag:s8], $0x0  }
0x24: {  	s3 =	sadd.s32 $0x88, s3;
	s6 =	simm.s32 @!p1 $0x1082;
	[sflag:s4] =	ssyncset.s32 $0xFFFFF086  }
0x25: {  	[simem:s6], [sflag:s4] =	dma.local [hbm:s3], $0xF7A  }
0x26: {  	[smem:$0x3F9F] =	sst s1;
	(tag) =	ssettag s2;
	_ =	strace s9  }
0x27: {  	s1 =	sld [smem:$0x3FAF]  }
0x28: {  	s2 =	sld [smem:$0x3FB0]  }
0x29: {  	s4 =	sld [smem:$0x3FB2]  }
0x2a: {  	p0 =	seq.s32 s5, $0x0;
	s5 =	sld [smem:$0x3FB3]  }
0x2b: {  	s6 =	sld [smem:$0x3FB4]  }
0x2c: {  	s7 =	sld [smem:$0x3FB5]  }
0x2d: {  	s3 =	simm.s32 $0x108;
	s8 =	sld [smem:$0x3FB6]  }
0x2e: {  	s3 =	simm.s32 @!p0 $0x1082;
	s9 =	sld [smem:$0x3FB7]  }
0x2f: {  	lr =	sadd.s32 s0, s3;
	s0 =	sld [smem:$0x3FAE]  }
0x30: {  	s3 =	sld [smem:$0x3FB1]  }
0x31: {  	[smem:$0x3FBA] =	sst s10  }
0x32: {  	s10 =	sld [smem:$0x3FB8];
	_ =	sdelay $0x3  }
0x33: {  	p0 =	seq.s32 s10, $0x1;
	s10 =	sld [smem:$0x3FBA];
	_ =	sdelay $0x3  }
0x34: {  	[smem:$0x3FBA] =	sst s10  }
0x35: {  	s10 =	sld [smem:$0x3FB9];
	_ =	sdelay $0x3  }
0x36: {  	p1 =	seq.s32 s10, $0x1;
	s10 =	sld [smem:$0x3FBA];
	_ =	sdelay $0x3  }
0x37: {  	[smem:$0x3FBA] =	sst s10  }
0x38: {  	s10 =	sld [smem:$0x3FBB]  }
0x39: {  	_ = 	snop;
	(pc) =	sbr.ind lr, $3  }
0x3a: {  	_ = 	snop  }
0x3b: {  	_ = 	snop  }
0x3c: {  	p2 =	seq.s32 s10, $0x1;
	s10 =	sld [smem:$0x3FBA]  }
0x3d: {  	_ =	shalt  }
0x3e: {  	_ =	shalt  }
0x3f: {  	_ =	shalt  }
0x40: {  	_ =	shalt  }
0x41: {  	_ =	shalt  }
0x42: {  	_ =	shalt  }
0x43: {  	_ =	shalt  }
0x44: {  	_ =	shalt  }
0x45: {  	_ =	shalt  }
0x46: {  	_ =	shalt  }
0x47: {  	_ =	shalt  }
0x48: {  	_ =	shalt  }
0x49: {  	_ =	shalt  }
0x4a: {  	_ =	shalt  }
0x4b: {  	_ =	shalt  }
0x4c: {  	_ =	shalt  }
0x4d: {  	_ =	shalt  }
0x4e: {  	_ =	shalt  }
0x4f: {  	_ =	shalt  }
0x50: {  	_ =	shalt  }
0x51: {  	_ =	shalt  }
0x52: {  	_ =	shalt  }
0x53: {  	_ =	shalt  }
0x54: {  	_ =	shalt  }
0x55: {  	_ =	shalt  }
0x56: {  	_ =	shalt  }
0x57: {  	_ =	shalt  }
0x58: {  	_ =	shalt  }
0x59: {  	_ =	shalt  }
0x5a: {  	_ =	shalt  }
0x5b: {  	_ =	shalt  }
0x5c: {  	_ =	shalt  }
0x5d: {  	_ =	shalt  }
0x5e: {  	_ =	shalt  }
0x5f: {  	_ =	shalt  }
0x60: {  	_ =	shalt  }
0x61: {  	_ =	shalt  }
0x62: {  	_ =	shalt  }
0x63: {  	_ =	shalt  }
0x64: {  	_ =	shalt  }
0x65: {  	_ =	shalt  }
0x66: {  	_ =	shalt  }
0x67: {  	_ =	shalt  }
0x68: {  	_ =	shalt  }
0x69: {  	_ =	shalt  }
0x6a: {  	_ =	shalt  }
0x6b: {  	_ =	shalt  }
0x6c: {  	_ =	shalt  }
0x6d: {  	_ =	shalt  }
0x6e: {  	_ =	shalt  }
0x6f: {  	_ =	shalt  }
0x70: {  	_ =	shalt  }
0x71: {  	_ =	shalt  }
0x72: {  	_ =	shalt  }
0x73: {  	_ =	shalt  }
0x74: {  	_ =	shalt  }
0x75: {  	_ =	shalt  }
0x76: {  	_ =	shalt  }
0x77: {  	_ =	shalt  }
0x78: {  	_ =	shalt  }
0x79: {  	_ =	shalt  }
0x7a: {  	_ =	shalt  }
0x7b: {  	_ =	shalt  }
0x7c: {  	_ =	shalt  }
0x7d: {  	_ =	shalt  }
0x7e: {  	_ =	shalt  }
0x7f: {  	_ =	shalt  }
0x80: {  	_ =	shalt  }
0x81: {  	_ =	shalt  }
0x82: {  	_ =	shalt  }
0x83: {  	_ =	shalt  }
0x84: {  	_ =	shalt  }
0x85: {  	_ =	shalt  }
0x86: {  	_ =	shalt  }
0x87: {  	_ =	shalt  }
.Lfunc_end0:
.L_simem_size_0:
called_computation_lowered:
.L_overlay_start_0:
0x88: {  	s0 =	sld [smem:$0x3FD9]  }
0x89: {  	s1 =	sld [smem:$0x3FFE];
	_ =	sdelay $0x3  }
0x8a: {  	s0 =	sadd.s32 s1, s0  }
0x8b: {  	[smem:$0x3FC6] =	sst s0  }
0x8c: {  	_ = 	snop  }
0x8d: {  	s0 =	sld [smem:$0x3FD0];
	_ =	sdelay $0x2  }
0x8e: {  	s13 =	simm.s32 $0xA;
	s2 =	simm.s32 $0x10  }
0x8f: {  	[smem:s2], [sflag:s13] =	dma.local [hbm:s0], $0x1  }
0x90: {  	_ =	swait.eq [sflag:s13], $0x1  }
0x91: {  	[sflag:s13] =	ssyncset.done $0x0  }
0x92: {  	s14 =	sld [smem:$0x10];
	[sflag:s13] =	ssyncadd.s32 $0xFFFFFFFF  }
0x93: {  	s15 =	sld [smem:$0x11];
	(tm) =	ssettm $0x1  }
0x94: {  	s16 =	sld [smem:$0x3FFB];
	_ =	sdelay $0x3  }
0x95: {  	_ =	strace s16  }
0x96: {  	s2 =	sld [smem:$0x3FFC];
	_ =	sdelay $0x3  }
0x97: {  	_ =	strace s2  }
0x98: {  	s2 =	sld [smem:$0x3FFD];
	_ =	sdelay $0x3  }
0x99: {  	_ =	strace s2  }
0x9a: {  	_ =	strace $0x8FFFFFFF  }
0x9b: {  	s17 =	sld [smem:$0x3FDB];
	_ =	sdelay $0x1  }
0x9c: {  	s3 =	simm.s32 $_scs_section_size  }
0x9d: {  	s4 =	simm.s32 $_size__tile_overlayer_lowered;
	s5 =	simm.s32 $_tile_overlayer_lowered  }
0x9e: {  	s20 =	simm.s32 $0x1BFF;
	s19 =	sshll.u32 s5, $0x1;
	s2 =	sadd.s32 s3, s17  }
0x9f: {  	s6 =	simm.s32 $0x0;
	s18 =	sshll.u32 s4, $0x1;
	s4 =	sadd.s32 s19, s2  }
0xa0: {  	[timem:s6], [sflag:s20] =	dma.local [hbm:s4], s18  }
0xa1: {  	_ =	swait.ge [sflag:s20], s18  }
0xa2: {  	s3 =	ssub.s32 $0x0, s18;
	[sflag:s20] =	ssyncset.done $0x0  }
0xa3: {  	[sflag:s20] =	ssyncadd.s32 s3;
	_ =	sdelay $0x1  }
0xa4: {  	s21 =	simm.s32 $0x1B8B  }
0xa5: {  	_ =	swait.ge [sflag:s21], $0x1  }
0xa6: {  	[sflag:s21] =	ssyncset.done $0x0  }
0xa7: {  	s23 =	simm.s32 $0x1B8E;
	s22 =	sld [smem:$0x3FFE];
	[sflag:s21] =	ssyncadd.s32 $0xFFFFFFFF  }
0xa8: {  	s24 =	simm.s32 $execute0_lowered;
	[smem:$0x3FD2] =	sst s23  }
0xa9: {  	s4 =	sshll.u32 s24, $0x1;
	_ =	strace $0x80000046;
	[dreg:$0x1] =	wrdreg $0xFFFFFFFF  }
0xaa: {  	s25 =	simm.s32 $_size_execute0_lowered;
	s2 =	sadd.s32 s2, s4;
	[dreg:$0x0] =	wrdreg $0x0  }
0xab: {  	s4 =	sshll.u32 s25, $0x1;
	[dreg:$0x2] =	wrdreg s2  }
0xac: {  	[dreg:$0x3] =	wrdreg s4  }
0xad: {  	[dreg:$0x4] =	wrdreg $0xC0  }
0xae: {  	_ =	task [dreg:s6], $0x5FFFF  }
0xaf: {  	[dreg:$0x1] =	wrdreg $0xFFFFFFFF  }
0xb0: {  	[dreg:$0x0] =	wrdreg $0x60  }
0xb1: {  	[dreg:$0x2] =	wrdreg s14  }
0xb2: {  	[dreg:$0x3] =	wrdreg s15  }
0xb3: {  	[dreg:$0x4] =	wrdreg s22  }
0xb4: {  	[dreg:$0x5] =	wrdreg $0x9  }
0xb5: {  	_ =	task.clear_ibuf [dreg:s6], $0x6FFFF;
	_ =	strace $0x90000046  }
0xb6: {  	s26 =	simm.s32 $0x9;
	_ =	strace $0x80000048  }
0xb7: {  	_ =	swait.ge [sflag:s26], $0x1  }
0xb8: {  	[sflag:s26] =	ssyncadd.s32 $0xFFFFFFFF  }
0xb9: {  	_ =	strace $0x90000048  }
0xba: {  	_ =	sfence  }
0xbb: {  	s28 =	sld [smem:$0x0];
	_ =	sdelay $0x1  }
0xbc: {  	s29 =	srdreg.scid  }
0xbd: {  	s30 =	sshll.u32 s29, $0xD;
	s31 =	sshrl.u32 s29, $0x2  }
0xbe: {  	s1 =	sand.u32 $0x1, s29;
	s2 =	sand.u32 $0x4000, s30;
	s0 =	sadd.s32 s31, s28  }
0xbf: {  	s1 =	sor.u32 s2, s1;
	s0 =	sshll.u32 s0, $0x11  }
0xc0: {  	s0 =	sor.u32 s0, s1  }
0xc1: {  	s0 =	sadd.s32 $0x8F2B, s0  }
0xc2: {  	[sflag:s0] =	ssyncadd.remote.s32 $0x1  }
0xc3: {  	_ =	sfence.sel $0xFFFF  }
0xc4: {  	[dreg:$0x0] =	wrdreg $0xFFFFFFFF;
	(pc) =	sbr.abs _section_cstart, $3  }
0xc5: {  	[dreg:$0x1] =	wrdreg $0xFFFFFFFF  }
0xc6: {  	_ =	task.clear_ibuf [dreg:s6], $0x2FFFF;
	_ =	strace $0x9FFFFFFF  }
0xc7: {  	(tm) =	ssettm $0x7FFFFFFF  }
tec
execute0_lowered:
.L_overlay_start_1:
0x0: {  	(tag) =	ssettag $0x1  }
0x1: {  	s1 =	rddreg [dreg:$0x0]  }
0x2: {  	s0 =	rddreg [dreg:$0x2];
	_ =	strace $0x80000047;
	s2 =	simm.s32 $0x1  }
0x3: {  	v1 =	vimm.s32 $0xFFFFFFFF;
	[sflag:s2] =	ssyncpa.u1 $0x0  }
0x4: {  	[tilespmem:$0x10] =	vst v1  }
0x5: {  	v0 =	vimm.f32 $-Inf;
	s6 =	stileid.u32;
	s3 =	simm.s32 $0x4000;
	s29 =	simm.s32 $0x2;
	[tilespmem:$0x20] =	vst v1  }
0x6: {  	s7 =	simm.s32 $0x7;
	s8 =	simm.s32 $0x8;
	s30 =	simm.s32 $0x9;
	[tilespmem:$0x30] =	vst v0  }
0x7: {  	s16 =	simm.s32 $0x0;
	s17 =	simm.s32 $0xFFFFE000;
	s18 =	simm.s32 $0xF0;
	[tilespmem:$0x40] =	vst v0  }
0x8: {  	s19 =	simm.s32 $0xFFFFFFFF;
	s20 =	simm.s32 $0xFFFFC100;
	s28 =	smin.u32 s6, $0x4;
	[tilespmem:$0x50] =	vst v0  }
0x9: {  	s21 =	simm.s32 $0xFFFFFFFE;
	p0 =	slt.u32 s6, $0x4;
	[tilespmem:$0x60] =	vst v1;
	s2 =	sadd.s32 s6, s28  }
0xa: {  	s22 =	simm.s32 $0xF;
	[tilespmem:$0x70] =	vst v1;
	s3 =	simm.s32 @!p0 $0x2000;
	s4 =	sshll.u32 s2, $0xD  }
0xb: {  	s26 =	simm.s32 $0x0;
	s25 =	simm.s32 $0x0;
	[tilespmem:$0x80] =	vst v1;
	s2 =	sadd.s32 s3, s4  }
0xc: {  	s0 =	sadd.s32 $0x41000, s0;
	s11 =	sshll.u32 s6, $0x1;
	v1 =	vimm.s32 $0x0;
	[tilespmem:$0xB0] =	vst v0;
	s5 =	smin.u32 s2, $0x28000  }
0xd: {  	s14 =	sshllo.u32 s6, $0x1;
	[dreg:$0x4] =	wrdreg s0;
	[tilespmem:$0x90] =	vst v1;
	s2 =	ssub.s32 s5, s4  }
.Ltmp0:
0xe: {  	[tilespmem:$0xA0] =	vst v1;
	[sflag:s29] =	ssyncpa.u1 $0x0;
	p0 =	sgt.s32 s2, $0x0;
	(pc) =	sbr.rel .LBB2_1-.Ltmp0, $4  }
0xf: {  	s13 =	sor.u32 $0x81, s11;
	[sflag:s7] =	ssyncpa.u1 $0x0;
	s2 =	simm.s32 @!p0 $0x0  }
0x10: {  	s15 =	sor.u32 $0x80, s11;
	[sflag:s8] =	ssyncpa.u1 $0x0;
	s9 =	sshrl.u32 s2, $0xD  }
0x11: {  	vm0 =	vmmov $0xffff;
	v2 =	vlaneseq.u32;
	vm1 =	vmxor vm1, vm1;
	s24 =	smov.u32 s4;
	[sflag:s30] =	ssyncpa.u1 $0x0;
	s31 =	sadd.s32 $0x1, s9  }
0x12: {  	vm2 =	vmmov $0x1;
	v3 =	vimm.f32 $0.0e+00;
	vm3 =	vcmask $0x3F3C;
	p0 =	por $0x0, $0x0;
	s12 =	sadd.s32 $0x2, s9;
	[dreg:$0x5] =	wrdreg s31  }
.LBB2_9:
0x13: {  	p1 =	slt.u32 s25, $0x3  }
0x14: {  	s0 =	simm.s32 @!p1 $0x2  }
0x15: {  	_ =	swait.ge @!p1 [sflag:s0], $0x2000  }
0x16: {  	[sflag:s0] =	ssyncset.done @!p1 $0x0  }
0x17: {  	[sflag:s0] =	ssyncadd.s32 @!p1 $0xFFFFE000;
	s0 =	simm.s32 @!p1 $0x9  }
0x18: {  	_ =	swait.ge @!p1 [sflag:s0], $0x10  }
0x19: {  	s2 =	sadd.s32 $0x2000, s24;
	[sflag:s0] =	ssyncset.done @!p1 $0x0  }
0x1a: {  	[sflag:s0] =	ssyncadd.s32 @!p1 $0xFFFFFFF0;
	p1 =	slt.s32 s2, s5;
	s0 =	smov.u32 s4  }
0x1b: {  	s0 =	smov.u32 @p1 s2;
	p1 =	sne.s32 s25, s12  }
.Ltmp1:
0x1c: {  	_ = 	snop;
	(pc) =	sbr.rel @!p1 .LBB2_10-.Ltmp1, $4  }
0x1d: {  	s31 =	sadd.s32 $0x1, s25  }
0x1e: {  	s17 =	sadd.s32 $0x2000, s17;
	s18 =	sadd.s32 $0x2000, s18;
	s19 =	sadd.s32 $0x1, s19  }
0x1f: {  	s26 =	smov.u32 s24;
	p0 =	por !p0, !p0;
	s20 =	sadd.s32 $0x2000, s20  }
0x20: {  	s21 =	sadd.s32 $0x1, s21;
	s25 =	smov.u32 s31;
	s24 =	smov.u32 s0  }
.LBB2_1:
0x21: {  	p1 =	sge.u32 s25, s9  }
0x22: {  	s0 =	smulhi.u32 @!p1 $0xAAAAAAAB, s25;
	_ =	sdelay $0x1  }
0x23: {  	s0 =	sshrl.u32 @!p1 s0, $0x1  }
0x24: {  	s0 =	smul.u32 @!p1 $0x3, s0;
	_ =	sdelay $0x1  }
0x25: {  	s0 =	ssub.s32 @!p1 s25, s0  }
0x26: {  	s3 =	rddreg [dreg:$0x1];
	s2 =	sshrl.u32 @!p1 s24, $0x3;
	s0 =	sshll.u32 @!p1 s0, $0xD  }
0x27: {  	s2 =	sadd.s32 @!p1 s3, s2;
	s3 =	sand.u32 @!p1 $0x7, s24;
	s0 =	sor.u32 @!p1 $0x100, s0  }
0x28: {  	[tilespmem:s0], [sflag:$0x7] =	stream.linear.gather @!p1 [hbm4b:s2+s3], $0x2000, $0x38;
	[tilespmem:$0x12120] =	vst v63  }
0x29: {  	s2 =	sadd.s32 $0xFFFFFFFF, s25  }
0x2a: {  	p1 =	sge.u32 s2, s9  }
.Ltmp2:
0x2b: {  	_ = 	snop;
	(pc) =	sbr.rel @p1 .LBB2_5-.Ltmp2, $1  }
0x2c: {  	_ =	sdelay $0x3  }
0x2d: {  	s0 =	smulhi.u32 $0xAAAAAAAB, s2;
	_ =	sdelay $0x1  }
0x2e: {  	s0 =	sshrl.u32 s0, $0x1  }
0x2f: {  	s0 =	smul.u32 $0x3, s0;
	_ =	sdelay $0x1  }
0x30: {  	s0 =	ssub.s32 s2, s0  }
0x31: {  	_ =	swait.ge [sflag:s7], $0x2000;
	s0 =	sshll.u32 s0, $0xD  }
0x32: {  	[sflag:s7] =	ssyncset.done $0x0;
	s0 =	sor.u32 $0x100, s0  }
0x33: {  	[sflag:s7] =	ssyncadd.s32 $0xFFFFE000;
	(ifvalue) =	ssetifvalue $0xFFFFFFFF;
	v4 =	vld.msk [tilespmem:s0+$0x0 ss:$0x1], $0xffff;
	_ =	sdelay $0x2  }
0x34: {  	s23 =	smulhi.u32 $0xAAAAAAAB, s19;
	p1 =	sne.s32 s25, $0x1  }
0x35: {  	v5 =	vimm.s32 @!p1 $0x0  }
0x36: {  	s0 =	sshrl.u32 s23, $0x1;
	v5 =	vperm.xlane @!p1 v4, v5  }
0x37: {  	s3 =	sshll.u32 s25, $0x4;
	s0 =	smul.u32 $0xFFFE8000, s0;
	vm4 =	vlt.u32 v4, $0x100000  }
0x38: {  	s3 =	sand.u32 $0x10, s3;
	v4 =	vnsel vm4, $0xFFFFFFFE, v4;
	vm4 =	vlt.u32 @!p1 v5, $0x100000  }
0x39: {  	s0 =	sshra.s32 s0, $0x2;
	[tilespmem:s3+$0x60] =	vst v4;
	v4 =	vnsel @!p1 vm4, $0xFFFFFFFE, v5  }
0x3a: {  	s29 =	sadd.s32 s0, s18;
	[tilespmem:$0x80] =	vst @!p1 v4  }
0x3b: {  	v4 =	vld.msk [tilespmem:s29+$0x0 ss:$0x1], $0xffff;
	_ =	sdelay $0x4  }
0x3c: {  	(xrf1) =	vunique.msk.u32 $0xffff, v4;
	_ =	sdelay $0xd  }
0x3d: {  	v5 =	vimm.s32 $0xFFFFFFFF;
	v6, _, _ =	vpop (xrf1)  }
0x3e: {  	vm5 =	vne.s32 v4, v5;
	vm4 =	veq.s32 v6, v2  }
0x3f: {  	vm6 =	vlt.u32 v4, $0x100000;
	vm4 =	vmand vm5, vm4  }
0x40: {  	vm4 =	vmand vm6, vm4  }
0x41: {  	v5 =	vnsel vm4, $0xFFFFFFFF, v4;
	_ =	sdelay $0x2  }
0x42: {  	s30 =	sand.u32 $0x2000, s17  }
0x43: {  	s31 =	sshll.u32 s2, $0xD;
	s0 =	sor.u32 $0x80F0, s30;
	(ifvalue) =	ssetifvalue $0xFFFFFFFF  }
0x44: {  	v4 =	vperm.xlane v4, v1;
	[tilespmem:s0], [sflag:$0x8] =	stream.indirect_vreg.gather [hbm4b:s1+s16], $0x1, v5, vm0, $0x4038;
	v5 =	vnsel vm6, $0xFFFFFFFE, v5;
	[tilespmem:$0x12120] =	vst v63  }
0x45: {  	s28 =	sand.u32 $0x2000, s31;
	s2 =	simm.s32 $0x0;
	s23 =	sadd.s32 $0xFFFFFFF0, s29;
	[tilespmem:s29+$0x0] =	vst v5  }
.LBB2_3:
0x46: {  	v5 =	vld.msk [tilespmem:s23+$0x0 ss:$0x1], $0xffff;
	s2 =	sadd.s32 $0x10, s2;
	v6 =	vmov v4;
	s3 =	smov.u32 s23  }
0x47: {  	p1 =	slt.u32 s2, $0x1FF0;
	_ =	sdelay $0x4  }
0x48: {  	v4 =	vperm.xlane v5, v1;
	(xrf1) =	vunique.msk.u32 $0xffff, v5;
	_ =	sdelay $0xd  }
0x49: {  	v7, _, _ =	vpop (xrf1)  }
0x4a: {  	vm5 =	vne.s32 v5, v6;
	vm4 =	veq.s32 v7, v2  }
0x4b: {  	vm6 =	vlt.u32 v5, $0x100000;
	vm4 =	vmand vm5, vm4  }
0x4c: {  	vm4 =	vmand vm6, vm4  }
0x4d: {  	v5 =	vnsel vm4, $0xFFFFFFFF, v5  }
.Ltmp3:
0x4e: {  	v6 =	vnsel vm6, $0xFFFFFFFE, v5;
	(pc) =	sbr.rel @p1 .LBB2_3-.Ltmp3, $3  }
0x4f: {  	_ =	sdelay $0x1  }
0x50: {  	s23 =	sadd.s32 $0xFFFFFFF0, s23;
	s0 =	sadd.s32 $0xFFFFFFF0, s0;
	(ifvalue) =	ssetifvalue $0xFFFFFFFF  }
0x51: {  	[tilespmem:s0], [sflag:$0x8] =	stream.indirect_vreg.gather [hbm4b:s1+s16], $0x1, v5, vm0, $0x4038;
	[tilespmem:s3+$0x0] =	vst v6  }
0x52: {  	s0 =	sshrl.u32 s26, $0x3;
	s2 =	rddreg [dreg:$0x4]  }
0x53: {  	s31 =	sadd.s32 $0xA100, s28;
	s0 =	sadd.s32 s2, s0  }
0x54: {  	[tilespmem:s31], [sflag:$0x8] =	stream.linear.gather [hbm:s0], $0x2000, $0x38;
	[tilespmem:$0x12120] =	vst v63  }
.LBB2_5:
0x55: {  	p1 =	slt.u32 s25, $0x2  }
0x56: {  	p2 =	sge.u32 @!p1 s25, s12  }
0x57: {  	p1 =	por p1, p2  }
.Ltmp4:
0x58: {  	_ = 	snop;
	(pc) =	sbr.rel @p1 .LBB2_9-.Ltmp4, $1  }
0x59: {  	_ =	sdelay $0x3  }
0x5a: {  	s0 =	sadd.s32 $0xFFFFFFFE, s25  }
0x5b: {  	s2 =	smulhi.u32 $0xAAAAAAAB, s0;
	_ =	sdelay $0x1  }
0x5c: {  	s2 =	sshrl.u32 s2, $0x1  }
0x5d: {  	s2 =	smul.u32 $0x3, s2  }
0x5e: {  	_ =	swait.ge [sflag:s8], $0x4000  }
0x5f: {  	s6 =	rddreg [dreg:$0x5];
	s0 =	ssub.s32 s0, s2  }
0x60: {  	[sflag:s8] =	ssyncset.done $0x0;
	p1 =	sne.s32 s25, s6;
	s0 =	sshll.u32 s0, $0xD  }
0x61: {  	[sflag:s8] =	ssyncadd.s32 $0xFFFFC000;
	s2 =	sadd.s32 @!p1 $0x20FF, s0  }
0x62: {  	[spmem:s13] =	stream.linear.scatter @!p1 [tilespmem:s2], [sflag:$0x1], $0x1, $0x38;
	[tilespmem:$0x12120] =	vst v63  }
0x63: {  	s2 =	simm.s32 @!p1 $0x1  }
0x64: {  	_ =	swait.ge @!p1 [sflag:s2], $0x1  }
0x65: {  	s3 =	sshll.u32 s25, $0x4;
	[sflag:s2] =	ssyncset.done @!p1 $0x0  }
0x66: {  	s26 =	sand.u32 $0x10, s3;
	[sflag:s2] =	ssyncadd.s32 @!p1 $0xFFFFFFFF  }
0x67: {  	s2 =	sxor.u32 $0x10, s26;
	v5 =	vld [tilespmem:s26+$0x10]  }
0x68: {  	v6 =	vld [tilespmem:s2+$0x60]  }
0x69: {  	v4 =	vld [tilespmem:$0x80];
	_ =	sdelay $0x2  }
0x6a: {  	(v2sf) =	vpush v5, $0x0  }
0x6b: {  	(v2sf) =	vpush v6, $0x0  }
0x6c: {  	(v2sf) =	vpush v4, $0x0;
	_ =	sdelay $0xc  }
0x6d: {  	s10 =	spop (v2sf)  }
0x6e: {  	s6 =	spop (v2sf)  }
0x6f: {  	s29 =	spop (v2sf)  }
0x70: {  	p2 =	seq.s32 s10, s6;
	p3 =	seq.s32 s29, s10  }
0x71: {  	p3 =	por p2, p3  }
0x72: {  	v5 =	vpsel p3, $0xFFFFFFFF, v5  }
0x73: {  	s23 =	sand.u32 $0x1, s25;
	[tilespmem:s26+$0x10] =	vst.msk $0x1, v5  }
0x74: {  	s30 =	sshll.u32 s23, $0xD;
	v5 =	vld [tilespmem:$0x30]  }
0x75: {  	v6 =	vld [tilespmem:s30+$0xA100]  }
0x76: {  	v7 =	vld [tilespmem:s26+$0x40];
	_ =	sdelay $0x2  }
0x77: {  	vm4 =	vmmov vm1  }
0x78: {  	vm5 =	vmmov vm2;
	s3 =	sshll.u32 s23, $0x4;
	vm4 =	vmmov @p2 vm2;
	v6 =	vmax.f32 v5, v6  }
0x79: {  	s28 =	sor.u32 $0x12100, s3;
	vm5 =	vmmov @p3 vm1;
	v5 =	vmax.f32 v5, v7;
	[tilespmem:s30+$0xA100] =	vst.msk vm4, v6  }
0x7a: {  	[tilespmem:s28+$0x0] =	vst.msk vm5, v5  }
0x7b: {  	v5 =	vld [tilespmem:s30+$0x80F0];
	_ =	sdelay $0x4  }
0x7c: {  	v5 =	vshift.insert v5, v3, s22  }
0x7d: {  	s6 =	sor.u32 $0x40, s2  }
0x7e: {  	v6 =	vimm.f32 $-Inf;
	[tilespmem:s6+$0x0] =	vst.msk $0x1, v5  }
0x7f: {  	[tilespmem:s30+$0x80FF] =	vst.msk $0x1, v6  }
0x80: {  	v5 =	vld [tilespmem:s0+$0x20F0]  }
0x81: {  	s10 =	smulhi.u32 $0xAAAAAAAB, s21;
	_ =	sdelay $0x1  }
0x82: {  	s0 =	sshrl.u32 s10, $0x1  }
0x83: {  	s0 =	smul.u32 $0xFFFE8000, s0  }
0x84: {  	s3 =	simm.s32 $0x1;
	v5 =	vshift.insert v5, v1, s22  }
0x85: {  	s3 =	simm.s32 @!p0 $0x0;
	s0 =	sshra.s32 s0, $0x2  }
0x86: {  	s3 =	sshll.u32 s3, $0xD;
	s6 =	sadd.s32 s0, s20;
	[tilespmem:s2+$0x10] =	vst.msk $0x1, v5  }
0x87: {  	s23 =	sadd.s32 $0xA100, s3;
	v7 =	vld [tilespmem:s6+$0x0]  }
0x88: {  	v8 =	vld [tilespmem:s23+$0x0];
	_ =	sdelay $0x4  }
0x89: {  	vm4 =	vne.s32 v7, $0xFFFFFFFF;
	v6 =	vmax.f32 v8, v6  }
0x8a: {  	(xrf0) =	vmax.seg.scan.f32 vm4, v6  }
0x8b: {  	s10 =	sadd.s32 $0x6100, s3;
	v8 =	vld [tilespmem:$0xA0]  }
0x8c: {  	v9 =	vld [tilespmem:s10+$0x0];
	_ =	sdelay $0x1  }
0x8d: {  	v6 =	vperm.xlane v5, v1;
	_ =	sdelay $0x1  }
0x8e: {  	vm6 =	veq.s32 v7, v4;
	vm7 =	veq.s32 v7, v6;
	vm5 =	veq.s32 v8, $0x1;
	v8, _, _ =	vpop (xrf0)  }
0x8f: {  	vm8 =	vgt.u32 v7, $0xFFFFFFFD;
	vm7 =	vmor vm7, vm6;
	v9 =	vmax.f32 v8, v9  }
0x90: {  	s31 =	sadd.s32 $0xE100, s3;
	v10 =	vld [tilespmem:$0x90];
	vm7 =	vmor vm7, vm8;
	v9 =	vsel vm6, v8, v9  }
0x91: {  	[tilespmem:s31+$0x0] =	vst v9;
	v9 =	vsel vm7, $0xFFFFFFFF, v7;
	_ =	sdelay $0x1  }
0x92: {  	vm9 =	vmand vm4, vm3  }
0x93: {  	s3 =	sadd.s32 $0x10, s31;
	s0 =	simm.s32 $0x0;
	s2 =	sadd.s32 $0x10, s23;
	v11 =	vsel vm9, $0xFF800000, v8  }
0x94: {  	s23 =	sadd.s32 $0x10, s6;
	s6 =	sadd.s32 $0x10, s10;
	vm4 =	vmor vm5, vm6;
	v7 =	vsel vm6, v8, v10;
	v8 =	vshift.insert v11, v0, s22;
	(ifvalue) =	ssetifvalue $0xFFFFFFFF  }
.LBB2_7:
0x95: {  	[hbm4b:s1+s16] =	stream.indirect_vreg.scatter [tilespmem:s31], [sflag:$0x2], $0x1, v9, vm0, $0x4038;
	[tilespmem:$0x12120] =	vst v63  }
0x96: {  	s0 =	sadd.s32 $0x10, s0;
	s31 =	smov.u32 s3;
	v9 =	vld [tilespmem:s23+$0x0]  }
0x97: {  	p2 =	slt.u32 s0, $0x1FF0;
	v10 =	vld [tilespmem:s2+$0x0];
	_ =	sdelay $0x4  }
0x98: {  	vm5 =	vne.s32 v9, $0xFFFFFFFF;
	v8 =	vmax.f32 v10, v8  }
0x99: {  	(xrf0) =	vmax.seg.scan.f32 vm5, v8;
	_ =	sdelay $0x1  }
0x9a: {  	v8 =	vld [tilespmem:s6+$0x0]  }
0x9b: {  	vm6 =	veq.s32 v9, v4;
	vm7 =	veq.s32 v9, v6  }
0x9c: {  	vm8 =	vgt.u32 v9, $0xFFFFFFFD;
	vm4 =	vmor vm4, vm6;
	vm7 =	vmor vm7, vm6  }
0x9d: {  	vm7 =	vmor vm7, vm8  }
.Ltmp5:
0x9e: {  	vm5 =	vmand vm5, vm3;
	v9 =	vsel vm7, $0xFFFFFFFF, v9;
	v10, _, _ =	vpop (xrf0);
	(pc) =	sbr.rel @p2 .LBB2_7-.Ltmp5, $4  }
0x9f: {  	v7 =	vsel vm6, v10, v7;
	v8 =	vmax.f32 v10, v8;
	v11 =	vsel vm5, $0xFF800000, v10  }
0xa0: {  	v10 =	vsel vm6, v10, v8;
	v8 =	vshift.insert v11, v0, s22  }
0xa1: {  	s23 =	sadd.s32 $0x10, s23;
	s2 =	sadd.s32 $0x10, s2;
	[tilespmem:s3+$0x0] =	vst v10  }
0xa2: {  	s6 =	sadd.s32 $0x10, s6;
	s3 =	sadd.s32 $0x10, s3;
	(ifvalue) =	ssetifvalue $0xFFFFFFFF  }
0xa3: {  	_ =	sdelay $0x3  }
0xa4: {  	[hbm4b:s1+s16] =	stream.indirect_vreg.scatter [tilespmem:s31], [sflag:$0x2], $0x1, v9, vm0, $0x4038;
	[tilespmem:$0x12120] =	vst v63  }
0xa5: {  	v4 =	vld [tilespmem:s30+$0x100F0];
	_ =	sdelay $0x4  }
0xa6: {  	v4 =	vshift.insert v4, v3, s22  }
0xa7: {  	s0 =	simm.s32 $0x30  }
0xa8: {  	[tilespmem:s0+$0x0] =	vst.msk $0x1, v4  }
0xa9: {  	v4 =	vsel vm4, $0x1, v1;
	[tilespmem:$0x90] =	vst v7  }
0xaa: {  	s0 =	sadd.s32 @!p1 $0x100FF, s30;
	[tilespmem:$0xA0] =	vst v4  }
0xab: {  	[spmem:s14] =	stream.linear.scatter @!p1 [tilespmem:s0], [sflag:$0x1], $0x1, $0x38;
	[tilespmem:$0x12120] =	vst v63  }
0xac: {  	s0 =	simm.s32 @!p1 $0x1  }
0xad: {  	v4 =	vmctz.xlane @!p1 vm4;
	_ =	swait.ge @!p1 [sflag:s0], $0x1  }
0xae: {  	(v2sf) =	vpush @!p1 v5, $0x0  }
0xaf: {  	(v2sf) =	vpush @!p1 v4, $0x0;
	_ =	sdelay $0xd  }
0xb0: {  	s2 =	spop @!p1 (v2sf)  }
0xb1: {  	s3 =	spop @!p1 (v2sf)  }
0xb2: {  	p2 =	sne.s32 @!p1 s29, s2;
	p3 =	slt.s32 @!p1 s3, $0xF  }
0xb3: {  	[sflag:s0] =	ssyncset.done @!p1 $0x0;
	p2 =	por p2, p1;
	p3 =	por !p3, p1  }
0xb4: {  	[sflag:s0] =	ssyncadd.s32 @!p1 $0xFFFFFFFF;
	v4 =	vimm.s32 @!p2 $0xFFFFFFFF;
	s3 =	simm.s32 @p3 $0xF  }
0xb5: {  	[tilespmem:$0x80] =	vst @!p2 v4;
	s2 =	sadd.s32 @!p1 $0x90, s3  }
0xb6: {  	[spmem:s11] =	stream.linear.scatter @!p1 [tilespmem:s2], [sflag:$0x1], $0x1, $0x38;
	[tilespmem:$0x12120] =	vst v63  }
0xb7: {  	_ =	swait.ge @!p1 [sflag:s0], $0x1  }
0xb8: {  	[sflag:s0] =	ssyncset.done @!p1 $0x0  }
0xb9: {  	s2 =	simm.s32 @!p1 $0x80;
	[sflag:s0] =	ssyncadd.s32 @!p1 $0xFFFFFFFF  }
0xba: {  	[spmem:s15] =	stream.linear.scatter @!p1 [tilespmem:s2], [sflag:$0x1], $0x1, $0x38;
	[tilespmem:$0x12120] =	vst v63  }
0xbb: {  	_ =	swait.ge @!p1 [sflag:s0], $0x1  }
0xbc: {  	[sflag:s0] =	ssyncset.done @!p1 $0x0  }
0xbd: {  	[sflag:s0] =	ssyncadd.s32 @!p1 $0xFFFFFFFF;
	(ifvalue) =	ssetifvalue $0xFFFFFFFF;
	v4 =	vld [tilespmem:s26+$0x10];
	_ =	sdelay $0x3  }
.Ltmp6:
0xbe: {  	_ = 	snop;
	(pc) =	sbr.rel .LBB2_9-.Ltmp6, $3  }
0xbf: {  	_ =	sdelay $0x1  }
0xc0: {  	(ifvalue) =	ssetifvalue $0xFFFFFFFF  }
0xc1: {  	[hbm4b:s1+s16] =	stream.indirect_vreg.scatter [tilespmem:s28], [sflag:$0x9], $0x1, v4, vm0, $0x4038;
	[tilespmem:$0x12120] =	vst v63  }
.LBB2_10:
0xc2: {  	_ =	sfence.sel $0x180000  }
0xc3: {  	s0 =	simm.s32 $0x7;
	[bflag:$0x0] =	sbarrier.arrive $0xFFFF  }
0xc4: {  	s26 =	simm.s32 $0x8;
	[sflag:s0] =	ssyncpa.u1 $0x1  }
0xc5: {  	s28 =	simm.s32 $0x9;
	[sflag:s26] =	ssyncpa.u1 $0x1  }
0xc6: {  	[sflag:s28] =	ssyncpa.u1 $0x1  }
0xc7: {  	_ =	sfence.stream.spmem  }
0xc8: {  	s29 =	simm.s32 $0x3;
	[bflag:$0x0] =	sbarrier.arrive $0xFFFF  }
0xc9: {  	s30 =	simm.s32 $0x4;
	[sflag:s29] =	ssyncpa.u1 $0x1  }
0xca: {  	s31 =	simm.s32 $0x3C;
	s2 =	stileid.u32;
	[sflag:s30] =	ssyncpa.u1 $0x1  }
0xcb: {  	p0 =	sne.s32 s2, $0x0;
	[sflag:s31] =	ssyncpa.u1 $0x1  }
0xcc: {  	s0 =	simm.s32 @p0 $0x1;
	_ =	sfence @p0  }
0xcd: {  	[sflag:s0] =	ssyncpa.u1 @p0 $0x1;
	s0 =	simm.s32 @p0 $0x2  }
0xce: {  	[sflag:s0] =	ssyncpa.u1 @p0 $0x1  }
0xcf: {  	_ =	strace @p0 $0x90000047  }
0xd0: {  	[bflag:$0x2] =	sbarrier.arrive @p0 $0xFFFF  }
0xd1: {  	_ =	shalt @p0  }
.LBB2_11:
0xd2: {  	_ =	sfence.stream.spmem;
	s0 =	simm.s32 $0x5  }
0xd3: {  	s2 =	simm.s32 $0x80;
	s3 =	simm.s32 $0xC0;
	[sflag:s0] =	ssyncpa.u1 $0x0  }
0xd4: {  	[tilespmem:s3], [sflag:$0x5] =	stream.linear.gather [spmem:s2], $0x20, $0x38;
	[tilespmem:$0x12120] =	vst v63  }
0xd5: {  	s30 =	simm.s32 $0xE0;
	s2 =	simm.s32 $0x0  }
0xd6: {  	[tilespmem:s30], [sflag:$0x5] =	stream.linear.gather [spmem:s2], $0x20, $0x38;
	[tilespmem:$0x12120] =	vst v63  }
.Ltmp7:
0xd7: {  	_ = 	snop;
	(pc) =	sbr.rel .LBB2_12-.Ltmp7, $4  }
0xd8: {  	_ =	swait.ge [sflag:s0], $0x40  }
0xd9: {  	[sflag:s0] =	ssyncset.done $0x0  }
0xda: {  	s31 =	simm.s32 $0x6;
	[sflag:s0] =	ssyncadd.s32 $0xFFFFFFC0  }
0xdb: {  	s3 =	simm.s32 $0x0;
	[sflag:s31] =	ssyncpa.u1 $0x0  }
.LBB2_17:
0xdc: {  	p0 =	sgt.u32 s4, $0xFFFFF  }
0xdd: {  	s0 =	sshrl.u32 @!p0 s4, $0x3  }
0xde: {  	s4 =	sand.u32 @!p0 $0x7, s4;
	s5 =	simm.s32 @!p0 $0xB0;
	s0 =	sadd.s32 @!p0 s1, s0  }
0xdf: {  	[tilespmem:s5], [sflag:$0x6] =	stream.linear.gather @!p0 [hbm4b:s0+s4], $0x1, $0x38;
	[tilespmem:$0x12120] =	vst v63  }
0xe0: {  	s0 =	simm.s32 @!p0 $0x6  }
0xe1: {  	_ =	swait.ge @!p0 [sflag:s0], $0x1  }
0xe2: {  	[sflag:s0] =	ssyncset.done @!p0 $0x0  }
0xe3: {  	[sflag:s0] =	ssyncadd.s32 @!p0 $0xFFFFFFFF  }
0xe4: {  	v1 =	vld.msk @!p0 [tilespmem:$0xB0], $0x1  }
0xe5: {  	v2 =	vld.msk @!p0 [tilespmem:s3+$0xE0], $0x1;
	_ =	sdelay $0x4  }
0xe6: {  	v1 =	vmax.f32 @!p0 v2, v1  }
0xe7: {  	[tilespmem:s3+$0xE0] =	vst.msk @!p0 $0x1, v1  }
0xe8: {  	[tilespmem:s2+$0xC0] =	vst.msk $0x1, v0  }
0xe9: {  	v0 =	vld.msk [tilespmem:s3+$0xE0], $0x1;
	_ =	sdelay $0x4  }
0xea: {  	[tilespmem:s2+$0xE0] =	vst.msk $0x1, v0;
	s2 =	sadd.s32 $0x1, s2  }
.LBB2_19:
0xeb: {  	s3 =	sadd.s32 $0x1, s3  }
0xec: {  	p0 =	sne.s32 s3, $0x20  }
.Ltmp8:
0xed: {  	_ = 	snop;
	(pc) =	sbr.rel @!p0 .LBB2_20-.Ltmp8, $1  }
0xee: {  	_ =	sdelay $0x3  }
.LBB2_12:
0xef: {  	v0 =	vld.msk [tilespmem:s3+$0xC0], $0x1;
	_ =	sdelay $0x4  }
0xf0: {  	(v2sf) =	vpush v0, $0x0;
	_ =	sdelay $0xe  }
0xf1: {  	s4 =	spop (v2sf)  }
0xf2: {  	p0 =	seq.s32 s4, $0xFFFFFFFF  }
.Ltmp9:
0xf3: {  	_ = 	snop;
	(pc) =	sbr.rel @p0 .LBB2_19-.Ltmp9, $1  }
0xf4: {  	_ =	sdelay $0x3  }
0xf5: {  	p0 =	slt.s32 s2, $0x1  }
.Ltmp10:
0xf6: {  	_ = 	snop;
	(pc) =	sbr.rel @p0 .LBB2_17-.Ltmp10, $1  }
0xf7: {  	_ =	sdelay $0x3  }
0xf8: {  	s0 =	simm.s32 $0xC0;
	p0 =	por $0x0, $0x0  }
0xf9: {  	v1 =	vld.msk @!p0 [tilespmem:s0+$0x0], $0x1;
	_ =	sdelay $0x4  }
0xfa: {  	(v2sf) =	vpush @!p0 v1, $0x0;
	_ =	sdelay $0xd  }
0xfb: {  	p2 =	sne.s32 s2, $0x1  }
.Ltmp11:
0xfc: {  	s5 =	spop @!p0 (v2sf);
	(pc) =	sbr.rel @!p2 .LBB2_16-.Ltmp11, $4  }
0xfd: {  	p1 =	seq.s32 @!p0 s4, s5  }
0xfe: {  	s5 =	simm.s32 $0x0;
	p1 =	por !p1, p0  }
0xff: {  	s7 =	simm.s32 $0xFFFFFFFF;
	s5 =	simm.s32 @p1 $0xFFFFFFFF  }
0x100: {  	s6 =	simm.s32 $0x1;
	s5 =	smov.u32 @p0 s7  }
.LBB2_15:
0x101: {  	s7 =	smov.u32 s5;
	p0 =	sne.s32 s5, $0xFFFFFFFF  }
0x102: {  	s0 =	sadd.s32 $0x1, s0;
	s5 =	smov.u32 s6;
	s6 =	sadd.s32 $0x1, s6  }
0x103: {  	p1 =	sne.s32 s2, s6;
	v1 =	vld.msk @!p0 [tilespmem:s0+$0x0], $0x1;
	_ =	sdelay $0x4  }
0x104: {  	(v2sf) =	vpush @!p0 v1, $0x0;
	_ =	sdelay $0xe  }
.Ltmp12:
0x105: {  	s8 =	spop @!p0 (v2sf);
	(pc) =	sbr.rel @p1 .LBB2_15-.Ltmp12, $4  }
0x106: {  	p2 =	seq.s32 @!p0 s4, s8  }
0x107: {  	p2 =	por !p2, p0  }
0x108: {  	s5 =	simm.s32 @p2 $0xFFFFFFFF  }
0x109: {  	s5 =	smov.u32 @p0 s7  }
.LBB2_16:
0x10a: {  	p0 =	sne.s32 s5, $0xFFFFFFFF  }
.Ltmp13:
0x10b: {  	_ = 	snop;
	(pc) =	sbr.rel @!p0 .LBB2_17-.Ltmp13, $1  }
0x10c: {  	_ =	sdelay $0x3  }
0x10d: {  	v0 =	vld.msk [tilespmem:s3+$0xE0], $0x1  }
0x10e: {  	v1 =	vld.msk [tilespmem:s5+$0xE0], $0x1;
	_ =	sdelay $0x1  }
.Ltmp14:
0x10f: {  	_ = 	snop;
	(pc) =	sbr.rel .LBB2_19-.Ltmp14, $3  }
0x110: {  	_ =	sdelay $0x1  }
0x111: {  	v0 =	vmax.f32 v1, v0  }
0x112: {  	[tilespmem:s5+$0xE0] =	vst.msk $0x1, v0  }
.LBB2_20:
0x113: {  	p0 =	slt.s32 s2, $0x1  }
.Ltmp15:
0x114: {  	_ = 	snop;
	(pc) =	sbr.rel @p0 .LBB2_24-.Ltmp15, $3  }
0x115: {  	_ =	sdelay $0x1  }
0x116: {  	s0 =	simm.s32 $0x6  }
0x117: {  	s3 =	simm.s32 $0x0;
	[sflag:s0] =	ssyncpa.u1 $0x1  }
0x118: {  	s0 =	simm.s32 $0xC0  }
0x119: {  	v0 =	vld.msk [tilespmem:s0+$0x0], $0x1;
	_ =	sdelay $0x4  }
0x11a: {  	(v2sf) =	vpush v0, $0x0;
	_ =	sdelay $0xe  }
0x11b: {  	s2 =	sadd.s32 $0xFFFFFFFF, s2;
	s4 =	spop (v2sf)  }
0x11c: {  	p1 =	sne.s32 s2, $0x0;
	p0 =	sgt.u32 s4, $0xFFFFF  }
.Ltmp16:
0x11d: {  	s5 =	sshrl.u32 @!p0 s4, $0x3;
	(pc) =	sbr.rel @!p1 .LBB2_23-.Ltmp16, $4  }
0x11e: {  	s0 =	simm.s32 $0xE0;
	s4 =	sand.u32 @!p0 $0x7, s4;
	s5 =	sadd.s32 @!p0 s1, s5  }
0x11f: {  	[hbm4b:s5+s4] =	stream.linear.scatter @!p0 [tilespmem:s0], [sflag:$0x5], $0x1, $0x38;
	[tilespmem:$0x12120] =	vst v63  }
0x120: {  	s5 =	simm.s32 $0x0  }
0x121: {  	s4 =	simm.s32 $0xC1;
	s5 =	simm.s32 @!p0 $0x4  }
.LBB2_22:
0x122: {  	v0 =	vld.msk [tilespmem:s4+$0x0], $0x1;
	s2 =	sadd.s32 $0xFFFFFFFF, s2;
	s3 =	sadd.s32 s3, s5  }
0x123: {  	p0 =	sne.s32 s2, $0x0;
	_ =	sdelay $0x3  }
0x124: {  	(v2sf) =	vpush v0, $0x0;
	_ =	sdelay $0xe  }
.Ltmp17:
0x125: {  	s6 =	spop (v2sf);
	(pc) =	sbr.rel @p0 .LBB2_22-.Ltmp17, $4  }
0x126: {  	s5 =	simm.s32 $0x0;
	p1 =	sgt.u32 s6, $0xFFFFF  }
0x127: {  	s0 =	sadd.s32 $0x1, s0;
	s5 =	simm.s32 @!p1 $0x4;
	s7 =	sshrl.u32 @!p1 s6, $0x3  }
0x128: {  	s4 =	sadd.s32 $0x1, s4;
	s6 =	sand.u32 @!p1 $0x7, s6;
	s7 =	sadd.s32 @!p1 s1, s7  }
0x129: {  	[hbm4b:s7+s6] =	stream.linear.scatter @!p1 [tilespmem:s0], [sflag:$0x5], $0x1, $0x38;
	[tilespmem:$0x12120] =	vst v63  }
.LBB2_23:
0x12a: {  	s0 =	sadd.s32 s3, s5  }
0x12b: {  	s3 =	sshrl.u32 s0, $0x2  }
.LBB2_24:
0x12c: {  	s0 =	simm.s32 $0x5  }
0x12d: {  	_ =	swait.ge [sflag:s0], s3  }
0x12e: {  	s1 =	ssub.s32 $0x0, s3;
	[sflag:s0] =	ssyncset.done $0x0  }
0x12f: {  	[sflag:s0] =	ssyncadd.s32 s1  }
0x130: {  	[sflag:s0] =	ssyncpa.u1 $0x1  }
0x131: {  	s29 =	simm.s32 $0x1;
	_ =	sfence  }
0x132: {  	s30 =	simm.s32 $0x2;
	[sflag:s29] =	ssyncpa.u1 $0x1  }
0x133: {  	[sflag:s30] =	ssyncpa.u1 $0x1  }
0x134: {  	_ =	strace $0x90000047  }
0x135: {  	[bflag:$0x2] =	sbarrier.arrive $0xFFFF  }
0x136: {  	s31 =	rddreg [dreg:$0x3]  }
0x137: {  	s0 =	sadd.s32 $0x100000, s31  }
0x138: {  	[sflag:s0] =	ssyncadd.tile.s32 $0x1;
	_ =	shalt  }
.Lfunc_end2:
_tile_overlayer_lowered:
.L_overlay_start_2:
0x139: {  	(tag) =	ssettag $0x2  }
0x13a: {  	s0 =	rddreg [dreg:$0x0];
	s2 =	stileid.u32  }
0x13b: {  	s1 =	rddreg [dreg:$0x1];
	p0 =	sne.s32 s2, $0x0  }
0x13c: {  	s3 =	rddreg [dreg:$0x2];
	[bflag:$0x3] =	sbarrier.arrive $0xFFFF;
	s2 =	simm.s32 @!p0 $0x1C01  }
0x13d: {  	[timem:s3], [sflag:s2] =	dma.local @!p0 [hbm:s0], s1  }
0x13e: {  	s0 =	simm.s32 @!p0 $0x1  }
0x13f: {  	_ =	swait.ge @!p0 [sflag:s0], s1  }
0x140: {  	s1 =	ssub.s32 @!p0 $0x0, s1;
	[sflag:s0] =	ssyncset.done @!p0 $0x0  }
0x141: {  	[sflag:s0] =	ssyncadd.s32 @!p0 s1  }
0x142: {  	[bflag:$0x3] =	sbarrier.arrive $0xFFFF  }
0x143: {  	_ =	shalt  }

</sc_bundles>
